<compile_context>
chip_gen: v7x
topology: tpu7x:2x2x1
jax: 0.10.2.dev20260603
libtpu: 0.0.44.dev20260713+nightly
codegen_flags: <defaults>
</compile_context>

<pallas_src>
import functools

import jax
import jax.numpy as jnp
from jax import lax
from jax.experimental import pallas as pl
from jax.experimental.pallas import tpu as pltpu
from jax.experimental.pallas import tpu_sc as plsc

EMBED_DIM = 32
D_MODEL = 128
_PACK = 128 // EMBED_DIM

_IDX_W = 128
_GATHERS_PER_STEP = 8


def _make_sc_gather(n_rows: int, d: int):
  info = plsc.get_sparse_core_info()
  nc, ns = info.num_cores, info.num_subcores
  nw = nc * ns
  rows_per_w = n_rows // nw
  step_rows = _IDX_W * _GATHERS_PER_STEP
  n_steps = rows_per_w // step_rows
  w_per_q = nw // _PACK
  assert rows_per_w % step_rows == 0 and nw % _PACK == 0

  mesh = plsc.VectorSubcoreMesh(core_axis_name="c", subcore_axis_name="s")

  @functools.partial(
      pl.kernel,
      mesh=mesh,
      compiler_params=pltpu.CompilerParams(use_tc_tiling_on_sc=False),
      out_type=jax.ShapeDtypeStruct((n_rows // _PACK, d * _PACK), jnp.float32),
      scratch_types=[
          pltpu.VMEM((_GATHERS_PER_STEP, _IDX_W), jnp.int32),
          pltpu.VMEM((step_rows, d), jnp.float32),
          pltpu.SemaphoreType.DMA,
      ],
  )
  def gather_kernel(table_hbm, idx_hbm, out_hbm, idx_v, rows_v, sem):
    wid = lax.axis_index("s") * nc + lax.axis_index("c")
    quarter = wid // w_per_q
    m_base = (wid % w_per_q) * rows_per_w
    base_blk = wid * (rows_per_w // _IDX_W)

    def body(j, carry):
      blk0 = base_blk + j * _GATHERS_PER_STEP
      pltpu.sync_copy(idx_hbm.at[pl.ds(blk0, _GATHERS_PER_STEP)], idx_v)
      cps = []
      for r in range(_GATHERS_PER_STEP):
        cps.append(
            pltpu.async_copy(
                table_hbm.at[idx_v.at[r]],
                rows_v.at[pl.ds(r * _IDX_W, _IDX_W)],
                sem,
            ))
      for cp in cps:
        cp.wait()
      pltpu.sync_copy(
          rows_v,
          out_hbm.at[pl.ds(m_base + j * step_rows, step_rows),
                     pl.ds(quarter * d, d)])
      return carry

    lax.fori_loop(0, n_steps, body, 0)

  return gather_kernel


def _mm_body(x_ref, w_ref, b_ref, o_ref):
  y = (jnp.dot(x_ref[...], w_ref[...], preferred_element_type=jnp.float32)
       + b_ref[...])
  o_ref[...] = y.reshape(o_ref.shape)


def _tc_matmul_packed(xp, w_exp, b, batch, feats):
  m_packed = xp.shape[0]
  kdim = xp.shape[1]
  bb = 32
  rows_pb = bb * feats
  n_i = m_packed // rows_pb
  bq = batch // _PACK
  n_bq = bq // bb
  assert m_packed % rows_pb == 0 and bq % bb == 0 and n_bq == n_i
  return pl.pallas_call(
      _mm_body,
      grid=(n_i, _PACK),
      in_specs=[
          pl.BlockSpec((rows_pb, kdim), lambda i, j: (i, 0)),
          pl.BlockSpec((kdim, D_MODEL), lambda i, j: (0, j)),
          pl.BlockSpec((1, D_MODEL), lambda i, j: (0, 0)),
      ],
      out_specs=pl.BlockSpec(
          (bb, feats, D_MODEL), lambda i, j: (j * n_bq + i, 0, 0)),
      out_shape=jax.ShapeDtypeStruct((batch, feats, D_MODEL), jnp.float32),
  )(xp, w_exp, b.reshape(1, D_MODEL))


def kernel(category_ids, table, W, b):
  batch, feats = category_ids.shape
  n_rows = batch * feats
  idx = category_ids.reshape(n_rows // _IDX_W, _IDX_W).astype(jnp.int32)
  gather = _make_sc_gather(n_rows, table.shape[1])
  xp = gather(table, idx)

  w_exp = jnp.zeros((_PACK * EMBED_DIM, _PACK * D_MODEL), jnp.float32)
  for j in range(_PACK):
    w_exp = w_exp.at[j * EMBED_DIM:(j + 1) * EMBED_DIM,
                     j * D_MODEL:(j + 1) * D_MODEL].set(W)

  return _tc_matmul_packed(xp, w_exp, b, batch, feats)

# --- scband reference (transcript-rebuilt; emitter-appended) ---
"""Pipeline reference for scband-category-embedding-11974368821385 (READ-ONLY COPY).

The authoritative reference and input builder live on the scoring server;
editing this copy changes nothing except your own understanding.
"""

import jax, jax.numpy as jnp
import numpy as np

N_CATEGORIES = 1000000
EMBED_DIM = 32
D_MODEL = 128


def setup_inputs(seed: int = 0) -> dict:
    key = jax.random.key(seed)
    k_idx, k_tab, k_w, k_b = jax.random.split(key, 4)
    category_ids = jax.random.randint(k_idx, (16384, 26), 0, N_CATEGORIES, dtype=jnp.int64 if jax.config.jax_enable_x64 else jnp.int32)
    table = jax.random.normal(k_tab, (N_CATEGORIES, EMBED_DIM), dtype=jnp.float32)
    bound = 1.0 / np.sqrt(EMBED_DIM)
    W = jax.random.uniform(k_w, (EMBED_DIM, D_MODEL), minval=-bound, maxval=bound, dtype=jnp.float32)
    b = jax.random.uniform(k_b, (D_MODEL,), minval=-bound, maxval=bound, dtype=jnp.float32)
    return {"category_ids": category_ids, "table": table, "W": W, "b": b}


def reference(category_ids, table, W, b):
    # nn.Embedding lookup -> gather rows from table
    embed = jnp.take(table, category_ids, axis=0)  # [B, F, embed_dim]
    # nn.Linear: embed @ W + b
    out = jnp.matmul(embed, W) + b  # [B, F, d_model]
    return out

if __name__ == "__main__":
    import jax
    _d = setup_inputs()
    print(jax.jit(kernel)(*tuple(_d.values())))

</pallas_src>

<mosaic_0001>
#map = affine_map<(d0, d1) -> (0, 0)>
module attributes {stable_mosaic.version = 14 : i64} {
  func.func @gather_kernel(%arg0: i32, %arg1: i32, %arg2: memref<1000000x32xf32, #tpu.memory_space<hbm>>, %arg3: memref<3328x128xi32, #tpu.memory_space<hbm>>, %arg4: memref<106496x128xf32, #tpu.memory_space<hbm>>, %arg5: memref<8x128xi32, #tpu.memory_space<vmem>>, %arg6: memref<1024x32xf32, #tpu.memory_space<vmem>>, %arg7: memref<!tpu.dma_semaphore, #tpu.memory_space<semaphore_mem>>) attributes {dimension_semantics = [#tpu.dimension_semantics<core_parallel>, #tpu.dimension_semantics<subcore_parallel>], iteration_bounds = array<i64: 2, 16>, scalar_prefetch = 0 : i64, scratch_operands = 3 : i64, tpu.core_type = #tpu.core_type<sc_vector_subcore>, window_params = [{transform_indices = #map}, {transform_indices = #map}, {transform_indices = #map}]} {
    %mul3A = arith.constant 2 : i32
    %mul3A_0 = arith.muli %arg1, %mul3A : i32
    %add3A = arith.addi %mul3A_0, %arg0 : i32
    %jit3A = arith.constant 8 : i32
    %div3A = arith.divsi %add3A, %jit3A : i32
    %sign3A = arith.constant 0 : i32
    %sign3A_1 = arith.cmpi sgt, %add3A, %sign3A : i32
    %sign3A_2 = arith.extui %sign3A_1 : i1 to i32
    %sign3A_3 = arith.constant 0 : i32
    %sign3A_4 = arith.cmpi slt, %add3A, %sign3A_3 : i32
    %sign3A_5 = arith.extui %sign3A_4 : i1 to i32
    %sign3A_6 = arith.subi %sign3A_2, %sign3A_5 : i32
    %sign3A_7 = arith.constant 0 : i32
    %sign3A_8 = arith.cmpi sgt, %jit3A, %sign3A_7 : i32
    %sign3A_9 = arith.extui %sign3A_8 : i1 to i32
    %sign3A_10 = arith.constant 0 : i32
    %sign3A_11 = arith.cmpi slt, %jit3A, %sign3A_10 : i32
    %sign3A_12 = arith.extui %sign3A_11 : i1 to i32
    %sign3A_13 = arith.subi %sign3A_9, %sign3A_12 : i32
    %ne3A = arith.cmpi ne, %sign3A_6, %sign3A_13 : i32
    %rem3A = arith.remsi %add3A, %jit3A : i32
    %ne3A_14 = arith.constant 0 : i32
    %ne3A_15 = arith.cmpi ne, %rem3A, %ne3A_14 : i32
    %and3A = arith.andi %ne3A, %ne3A_15 : i1
    %sub3A = arith.constant 1 : i32
    %sub3A_16 = arith.subi %div3A, %sub3A : i32
    %select_n3A = arith.select %and3A, %sub3A_16, %div3A : i32
    %jit3A_17 = arith.constant 8 : i32
    %eq3A = arith.constant 0 : i32
    %eq3A_18 = arith.cmpi eq, %jit3A_17, %eq3A : i32
    %jit3A_19 = arith.constant 1 : i32
    %select_n3A_20 = arith.select %eq3A_18, %jit3A_19, %jit3A_17 : i32
    %rem3A_21 = arith.remsi %add3A, %select_n3A_20 : i32
    %ne3A_22 = arith.constant 0 : i32
    %ne3A_23 = arith.cmpi ne, %rem3A_21, %ne3A_22 : i32
    %lt3A = arith.constant 0 : i32
    %lt3A_24 = arith.cmpi slt, %rem3A_21, %lt3A : i32
    %lt3A_25 = arith.constant 0 : i32
    %lt3A_26 = arith.cmpi slt, %select_n3A_20, %lt3A_25 : i32
    %ne3A_27 = arith.xori %lt3A_24, %lt3A_26 : i1
    %and3A_28 = arith.andi %ne3A_27, %ne3A_23 : i1
    %add3A_29 = arith.addi %rem3A_21, %select_n3A_20 : i32
    %select_n3A_30 = arith.select %and3A_28, %add3A_29, %rem3A_21 : i32
    %mul3A_31 = arith.constant 13312 : i32
    %mul3A_32 = arith.muli %select_n3A_30, %mul3A_31 : i32
    %mul3A_33 = arith.constant 104 : i32
    %mul3A_34 = arith.muli %add3A, %mul3A_33 : i32
    %scan3A = arith.constant 0 : i32
    %scan3A_35 = arith.constant 0 : i32
    %scan3A_36 = arith.constant 13 : i32
    %scan3A_37 = arith.addi %scan3A_35, %scan3A_36 : i32
    %scan3A_38 = arith.constant 1 : i32
    scf.for %scan3A_40 = %scan3A_35 to %scan3A_37 step %scan3A_38  : i32 {
      %mul3A_41 = arith.constant 8 : i32
      %mul3A_42 = arith.muli %scan3A_40, %mul3A_41 : i32
      %add3A_43 = arith.addi %mul3A_34, %mul3A_42 : i32
      "tpu.region"() ({
        %run_scoped3A = tpu.sem_alloc : memref<!tpu.dma_semaphore, #tpu.memory_space<semaphore_mem>>
        %dma_start3A_207 = arith.constant 0 : i32
        %dma_start3A_208 = tpu.memref_slice %arg3[%add3A_43, %dma_start3A_207] : memref<3328x128xi32, #tpu.memory_space<hbm>> -> memref<8x128xi32, #tpu.memory_space<hbm>>
        %dma_start3A_209 = arith.constant 0 : i32
        %dma_start3A_210 = tpu.memref_slice %arg3[%add3A_43, %dma_start3A_209] : memref<3328x128xi32, #tpu.memory_space<hbm>> -> memref<8x128xi32, #tpu.memory_space<hbm>>
        tpu.enqueue_dma source(%dma_start3A_210 : memref<8x128xi32, #tpu.memory_space<hbm>>) target(%arg5 : memref<8x128xi32, #tpu.memory_space<vmem>>) target_semaphore(%run_scoped3A : memref<!tpu.dma_semaphore, #tpu.memory_space<semaphore_mem>>)
        %dma_wait3A_211 = arith.constant 0 : i32
        %dma_wait3A_212 = tpu.memref_slice %arg3[%add3A_43, %dma_wait3A_211] : memref<3328x128xi32, #tpu.memory_space<hbm>> -> memref<8x128xi32, #tpu.memory_space<hbm>>
        %dma_wait3A_213 = arith.constant 0 : i32
        %dma_wait3A_214 = tpu.memref_slice %arg3[%add3A_43, %dma_wait3A_213] : memref<3328x128xi32, #tpu.memory_space<hbm>> -> memref<8x128xi32, #tpu.memory_space<hbm>>
        tpu.wait_dma2 semaphore(%run_scoped3A : memref<!tpu.dma_semaphore, #tpu.memory_space<semaphore_mem>>) src(%dma_wait3A_214 : memref<8x128xi32, #tpu.memory_space<hbm>>) dst(%arg5 : memref<8x128xi32, #tpu.memory_space<vmem>>)
        tpu.yield
      }) : () -> ()
      %dma_start3A = arith.constant 0 : i32
      %dma_start3A_44 = arith.constant 0 : i32
      %dma_start3A_45 = arith.constant 0 : i32
      %dma_start3A_46 = tpu.memref_slice %arg6[%dma_start3A_44, %dma_start3A_45] : memref<1024x32xf32, #tpu.memory_space<vmem>> -> memref<128x32xf32, #tpu.memory_space<vmem>>
      %dma_start3A_47 = arith.constant 0 : i32
      %dma_start3A_48 = tpu.memref_slice %arg5[%dma_start3A, %dma_start3A_47] : memref<8x128xi32, #tpu.memory_space<vmem>> -> memref<1x128xi32, #tpu.memory_space<vmem>>
      %dma_start3A_49 = tpu.memref_squeeze %dma_start3A_48 : memref<1x128xi32, #tpu.memory_space<vmem>> -> memref<128xi32, #tpu.memory_space<vmem>>
      %dma_start3A_50 = arith.constant 0 : i32
      %dma_start3A_51 = arith.constant 0 : i32
      %dma_start3A_52 = tpu.memref_slice %arg2[%dma_start3A_50, %dma_start3A_51] : memref<1000000x32xf32, #tpu.memory_space<hbm>> -> memref<1000000x32xf32, #tpu.memory_space<hbm>>
      tpu.enqueue_indirect_dma source(%dma_start3A_52 : memref<1000000x32xf32, #tpu.memory_space<hbm>>) target(%dma_start3A_46 : memref<128x32xf32, #tpu.memory_space<vmem>>) offsets(%dma_start3A_49 : memref<128xi32, #tpu.memory_space<vmem>>) semaphore(%arg7 : memref<!tpu.dma_semaphore, #tpu.memory_space<semaphore_mem>>)
      %dma_start3A_53 = arith.constant 1 : i32
      %dma_start3A_54 = arith.constant 128 : i32
      %dma_start3A_55 = arith.constant 0 : i32
      %dma_start3A_56 = tpu.memref_slice %arg6[%dma_start3A_54, %dma_start3A_55] : memref<1024x32xf32, #tpu.memory_space<vmem>> -> memref<128x32xf32, #tpu.memory_space<vmem>>
      %dma_start3A_57 = arith.constant 0 : i32
      %dma_start3A_58 = tpu.memref_slice %arg5[%dma_start3A_53, %dma_start3A_57] : memref<8x128xi32, #tpu.memory_space<vmem>> -> memref<1x128xi32, #tpu.memory_space<vmem>>
      %dma_start3A_59 = tpu.memref_squeeze %dma_start3A_58 : memref<1x128xi32, #tpu.memory_space<vmem>> -> memref<128xi32, #tpu.memory_space<vmem>>
      %dma_start3A_60 = arith.constant 0 : i32
      %dma_start3A_61 = arith.constant 0 : i32
      %dma_start3A_62 = tpu.memref_slice %arg2[%dma_start3A_60, %dma_start3A_61] : memref<1000000x32xf32, #tpu.memory_space<hbm>> -> memref<1000000x32xf32, #tpu.memory_space<hbm>>
      tpu.enqueue_indirect_dma source(%dma_start3A_62 : memref<1000000x32xf32, #tpu.memory_space<hbm>>) target(%dma_start3A_56 : memref<128x32xf32, #tpu.memory_space<vmem>>) offsets(%dma_start3A_59 : memref<128xi32, #tpu.memory_space<vmem>>) semaphore(%arg7 : memref<!tpu.dma_semaphore, #tpu.memory_space<semaphore_mem>>)
      %dma_start3A_63 = arith.constant 2 : i32
      %dma_start3A_64 = arith.constant 256 : i32
      %dma_start3A_65 = arith.constant 0 : i32
      %dma_start3A_66 = tpu.memref_slice %arg6[%dma_start3A_64, %dma_start3A_65] : memref<1024x32xf32, #tpu.memory_space<vmem>> -> memref<128x32xf32, #tpu.memory_space<vmem>>
      %dma_start3A_67 = arith.constant 0 : i32
      %dma_start3A_68 = tpu.memref_slice %arg5[%dma_start3A_63, %dma_start3A_67] : memref<8x128xi32, #tpu.memory_space<vmem>> -> memref<1x128xi32, #tpu.memory_space<vmem>>
      %dma_start3A_69 = tpu.memref_squeeze %dma_start3A_68 : memref<1x128xi32, #tpu.memory_space<vmem>> -> memref<128xi32, #tpu.memory_space<vmem>>
      %dma_start3A_70 = arith.constant 0 : i32
      %dma_start3A_71 = arith.constant 0 : i32
      %dma_start3A_72 = tpu.memref_slice %arg2[%dma_start3A_70, %dma_start3A_71] : memref<1000000x32xf32, #tpu.memory_space<hbm>> -> memref<1000000x32xf32, #tpu.memory_space<hbm>>
      tpu.enqueue_indirect_dma source(%dma_start3A_72 : memref<1000000x32xf32, #tpu.memory_space<hbm>>) target(%dma_start3A_66 : memref<128x32xf32, #tpu.memory_space<vmem>>) offsets(%dma_start3A_69 : memref<128xi32, #tpu.memory_space<vmem>>) semaphore(%arg7 : memref<!tpu.dma_semaphore, #tpu.memory_space<semaphore_mem>>)
      %dma_start3A_73 = arith.constant 3 : i32
      %dma_start3A_74 = arith.constant 384 : i32
      %dma_start3A_75 = arith.constant 0 : i32
      %dma_start3A_76 = tpu.memref_slice %arg6[%dma_start3A_74, %dma_start3A_75] : memref<1024x32xf32, #tpu.memory_space<vmem>> -> memref<128x32xf32, #tpu.memory_space<vmem>>
      %dma_start3A_77 = arith.constant 0 : i32
      %dma_start3A_78 = tpu.memref_slice %arg5[%dma_start3A_73, %dma_start3A_77] : memref<8x128xi32, #tpu.memory_space<vmem>> -> memref<1x128xi32, #tpu.memory_space<vmem>>
      %dma_start3A_79 = tpu.memref_squeeze %dma_start3A_78 : memref<1x128xi32, #tpu.memory_space<vmem>> -> memref<128xi32, #tpu.memory_space<vmem>>
      %dma_start3A_80 = arith.constant 0 : i32
      %dma_start3A_81 = arith.constant 0 : i32
      %dma_start3A_82 = tpu.memref_slice %arg2[%dma_start3A_80, %dma_start3A_81] : memref<1000000x32xf32, #tpu.memory_space<hbm>> -> memref<1000000x32xf32, #tpu.memory_space<hbm>>
      tpu.enqueue_indirect_dma source(%dma_start3A_82 : memref<1000000x32xf32, #tpu.memory_space<hbm>>) target(%dma_start3A_76 : memref<128x32xf32, #tpu.memory_space<vmem>>) offsets(%dma_start3A_79 : memref<128xi32, #tpu.memory_space<vmem>>) semaphore(%arg7 : memref<!tpu.dma_semaphore, #tpu.memory_space<semaphore_mem>>)
      %dma_start3A_83 = arith.constant 4 : i32
      %dma_start3A_84 = arith.constant 512 : i32
      %dma_start3A_85 = arith.constant 0 : i32
      %dma_start3A_86 = tpu.memref_slice %arg6[%dma_start3A_84, %dma_start3A_85] : memref<1024x32xf32, #tpu.memory_space<vmem>> -> memref<128x32xf32, #tpu.memory_space<vmem>>
      %dma_start3A_87 = arith.constant 0 : i32
      %dma_start3A_88 = tpu.memref_slice %arg5[%dma_start3A_83, %dma_start3A_87] : memref<8x128xi32, #tpu.memory_space<vmem>> -> memref<1x128xi32, #tpu.memory_space<vmem>>
      %dma_start3A_89 = tpu.memref_squeeze %dma_start3A_88 : memref<1x128xi32, #tpu.memory_space<vmem>> -> memref<128xi32, #tpu.memory_space<vmem>>
      %dma_start3A_90 = arith.constant 0 : i32
      %dma_start3A_91 = arith.constant 0 : i32
      %dma_start3A_92 = tpu.memref_slice %arg2[%dma_start3A_90, %dma_start3A_91] : memref<1000000x32xf32, #tpu.memory_space<hbm>> -> memref<1000000x32xf32, #tpu.memory_space<hbm>>
      tpu.enqueue_indirect_dma source(%dma_start3A_92 : memref<1000000x32xf32, #tpu.memory_space<hbm>>) target(%dma_start3A_86 : memref<128x32xf32, #tpu.memory_space<vmem>>) offsets(%dma_start3A_89 : memref<128xi32, #tpu.memory_space<vmem>>) semaphore(%arg7 : memref<!tpu.dma_semaphore, #tpu.memory_space<semaphore_mem>>)
      %dma_start3A_93 = arith.constant 5 : i32
      %dma_start3A_94 = arith.constant 640 : i32
      %dma_start3A_95 = arith.constant 0 : i32
      %dma_start3A_96 = tpu.memref_slice %arg6[%dma_start3A_94, %dma_start3A_95] : memref<1024x32xf32, #tpu.memory_space<vmem>> -> memref<128x32xf32, #tpu.memory_space<vmem>>
      %dma_start3A_97 = arith.constant 0 : i32
      %dma_start3A_98 = tpu.memref_slice %arg5[%dma_start3A_93, %dma_start3A_97] : memref<8x128xi32, #tpu.memory_space<vmem>> -> memref<1x128xi32, #tpu.memory_space<vmem>>
      %dma_start3A_99 = tpu.memref_squeeze %dma_start3A_98 : memref<1x128xi32, #tpu.memory_space<vmem>> -> memref<128xi32, #tpu.memory_space<vmem>>
      %dma_start3A_100 = arith.constant 0 : i32
      %dma_start3A_101 = arith.constant 0 : i32
      %dma_start3A_102 = tpu.memref_slice %arg2[%dma_start3A_100, %dma_start3A_101] : memref<1000000x32xf32, #tpu.memory_space<hbm>> -> memref<1000000x32xf32, #tpu.memory_space<hbm>>
      tpu.enqueue_indirect_dma source(%dma_start3A_102 : memref<1000000x32xf32, #tpu.memory_space<hbm>>) target(%dma_start3A_96 : memref<128x32xf32, #tpu.memory_space<vmem>>) offsets(%dma_start3A_99 : memref<128xi32, #tpu.memory_space<vmem>>) semaphore(%arg7 : memref<!tpu.dma_semaphore, #tpu.memory_space<semaphore_mem>>)
      %dma_start3A_103 = arith.constant 6 : i32
      %dma_start3A_104 = arith.constant 768 : i32
      %dma_start3A_105 = arith.constant 0 : i32
      %dma_start3A_106 = tpu.memref_slice %arg6[%dma_start3A_104, %dma_start3A_105] : memref<1024x32xf32, #tpu.memory_space<vmem>> -> memref<128x32xf32, #tpu.memory_space<vmem>>
      %dma_start3A_107 = arith.constant 0 : i32
      %dma_start3A_108 = tpu.memref_slice %arg5[%dma_start3A_103, %dma_start3A_107] : memref<8x128xi32, #tpu.memory_space<vmem>> -> memref<1x128xi32, #tpu.memory_space<vmem>>
      %dma_start3A_109 = tpu.memref_squeeze %dma_start3A_108 : memref<1x128xi32, #tpu.memory_space<vmem>> -> memref<128xi32, #tpu.memory_space<vmem>>
      %dma_start3A_110 = arith.constant 0 : i32
      %dma_start3A_111 = arith.constant 0 : i32
      %dma_start3A_112 = tpu.memref_slice %arg2[%dma_start3A_110, %dma_start3A_111] : memref<1000000x32xf32, #tpu.memory_space<hbm>> -> memref<1000000x32xf32, #tpu.memory_space<hbm>>
      tpu.enqueue_indirect_dma source(%dma_start3A_112 : memref<1000000x32xf32, #tpu.memory_space<hbm>>) target(%dma_start3A_106 : memref<128x32xf32, #tpu.memory_space<vmem>>) offsets(%dma_start3A_109 : memref<128xi32, #tpu.memory_space<vmem>>) semaphore(%arg7 : memref<!tpu.dma_semaphore, #tpu.memory_space<semaphore_mem>>)
      %dma_start3A_113 = arith.constant 7 : i32
      %dma_start3A_114 = arith.constant 896 : i32
      %dma_start3A_115 = arith.constant 0 : i32
      %dma_start3A_116 = tpu.memref_slice %arg6[%dma_start3A_114, %dma_start3A_115] : memref<1024x32xf32, #tpu.memory_space<vmem>> -> memref<128x32xf32, #tpu.memory_space<vmem>>
      %dma_start3A_117 = arith.constant 0 : i32
      %dma_start3A_118 = tpu.memref_slice %arg5[%dma_start3A_113, %dma_start3A_117] : memref<8x128xi32, #tpu.memory_space<vmem>> -> memref<1x128xi32, #tpu.memory_space<vmem>>
      %dma_start3A_119 = tpu.memref_squeeze %dma_start3A_118 : memref<1x128xi32, #tpu.memory_space<vmem>> -> memref<128xi32, #tpu.memory_space<vmem>>
      %dma_start3A_120 = arith.constant 0 : i32
      %dma_start3A_121 = arith.constant 0 : i32
      %dma_start3A_122 = tpu.memref_slice %arg2[%dma_start3A_120, %dma_start3A_121] : memref<1000000x32xf32, #tpu.memory_space<hbm>> -> memref<1000000x32xf32, #tpu.memory_space<hbm>>
      tpu.enqueue_indirect_dma source(%dma_start3A_122 : memref<1000000x32xf32, #tpu.memory_space<hbm>>) target(%dma_start3A_116 : memref<128x32xf32, #tpu.memory_space<vmem>>) offsets(%dma_start3A_119 : memref<128xi32, #tpu.memory_space<vmem>>) semaphore(%arg7 : memref<!tpu.dma_semaphore, #tpu.memory_space<semaphore_mem>>)
      %dma_wait3A = arith.constant 0 : i32
      %dma_wait3A_123 = arith.constant 0 : i32
      %dma_wait3A_124 = arith.constant 0 : i32
      %dma_wait3A_125 = tpu.memref_slice %arg6[%dma_wait3A_123, %dma_wait3A_124] : memref<1024x32xf32, #tpu.memory_space<vmem>> -> memref<128x32xf32, #tpu.memory_space<vmem>>
      %dma_wait3A_126 = arith.constant 0 : i32
      %dma_wait3A_127 = tpu.memref_slice %arg5[%dma_wait3A, %dma_wait3A_126] : memref<8x128xi32, #tpu.memory_space<vmem>> -> memref<1x128xi32, #tpu.memory_space<vmem>>
      %dma_wait3A_128 = tpu.memref_squeeze %dma_wait3A_127 : memref<1x128xi32, #tpu.memory_space<vmem>> -> memref<128xi32, #tpu.memory_space<vmem>>
      %dma_wait3A_129 = arith.constant 0 : i32
      %dma_wait3A_130 = arith.constant 0 : i32
      %dma_wait3A_131 = tpu.memref_slice %arg2[%dma_wait3A_129, %dma_wait3A_130] : memref<1000000x32xf32, #tpu.memory_space<hbm>> -> memref<1000000x32xf32, #tpu.memory_space<hbm>>
      tpu.wait_indirect_dma semaphore(%arg7 : memref<!tpu.dma_semaphore, #tpu.memory_space<semaphore_mem>>) src(%dma_wait3A_131 : memref<1000000x32xf32, #tpu.memory_space<hbm>>) dst(%dma_wait3A_125 : memref<128x32xf32, #tpu.memory_space<vmem>>)
      %dma_wait3A_132 = arith.constant 1 : i32
      %dma_wait3A_133 = arith.constant 128 : i32
      %dma_wait3A_134 = arith.constant 0 : i32
      %dma_wait3A_135 = tpu.memref_slice %arg6[%dma_wait3A_133, %dma_wait3A_134] : memref<1024x32xf32, #tpu.memory_space<vmem>> -> memref<128x32xf32, #tpu.memory_space<vmem>>
      %dma_wait3A_136 = arith.constant 0 : i32
      %dma_wait3A_137 = tpu.memref_slice %arg5[%dma_wait3A_132, %dma_wait3A_136] : memref<8x128xi32, #tpu.memory_space<vmem>> -> memref<1x128xi32, #tpu.memory_space<vmem>>
      %dma_wait3A_138 = tpu.memref_squeeze %dma_wait3A_137 : memref<1x128xi32, #tpu.memory_space<vmem>> -> memref<128xi32, #tpu.memory_space<vmem>>
      %dma_wait3A_139 = arith.constant 0 : i32
      %dma_wait3A_140 = arith.constant 0 : i32
      %dma_wait3A_141 = tpu.memref_slice %arg2[%dma_wait3A_139, %dma_wait3A_140] : memref<1000000x32xf32, #tpu.memory_space<hbm>> -> memref<1000000x32xf32, #tpu.memory_space<hbm>>
      tpu.wait_indirect_dma semaphore(%arg7 : memref<!tpu.dma_semaphore, #tpu.memory_space<semaphore_mem>>) src(%dma_wait3A_141 : memref<1000000x32xf32, #tpu.memory_space<hbm>>) dst(%dma_wait3A_135 : memref<128x32xf32, #tpu.memory_space<vmem>>)
      %dma_wait3A_142 = arith.constant 2 : i32
      %dma_wait3A_143 = arith.constant 256 : i32
      %dma_wait3A_144 = arith.constant 0 : i32
      %dma_wait3A_145 = tpu.memref_slice %arg6[%dma_wait3A_143, %dma_wait3A_144] : memref<1024x32xf32, #tpu.memory_space<vmem>> -> memref<128x32xf32, #tpu.memory_space<vmem>>
      %dma_wait3A_146 = arith.constant 0 : i32
      %dma_wait3A_147 = tpu.memref_slice %arg5[%dma_wait3A_142, %dma_wait3A_146] : memref<8x128xi32, #tpu.memory_space<vmem>> -> memref<1x128xi32, #tpu.memory_space<vmem>>
      %dma_wait3A_148 = tpu.memref_squeeze %dma_wait3A_147 : memref<1x128xi32, #tpu.memory_space<vmem>> -> memref<128xi32, #tpu.memory_space<vmem>>
      %dma_wait3A_149 = arith.constant 0 : i32
      %dma_wait3A_150 = arith.constant 0 : i32
      %dma_wait3A_151 = tpu.memref_slice %arg2[%dma_wait3A_149, %dma_wait3A_150] : memref<1000000x32xf32, #tpu.memory_space<hbm>> -> memref<1000000x32xf32, #tpu.memory_space<hbm>>
      tpu.wait_indirect_dma semaphore(%arg7 : memref<!tpu.dma_semaphore, #tpu.memory_space<semaphore_mem>>) src(%dma_wait3A_151 : memref<1000000x32xf32, #tpu.memory_space<hbm>>) dst(%dma_wait3A_145 : memref<128x32xf32, #tpu.memory_space<vmem>>)
      %dma_wait3A_152 = arith.constant 3 : i32
      %dma_wait3A_153 = arith.constant 384 : i32
      %dma_wait3A_154 = arith.constant 0 : i32
      %dma_wait3A_155 = tpu.memref_slice %arg6[%dma_wait3A_153, %dma_wait3A_154] : memref<1024x32xf32, #tpu.memory_space<vmem>> -> memref<128x32xf32, #tpu.memory_space<vmem>>
      %dma_wait3A_156 = arith.constant 0 : i32
      %dma_wait3A_157 = tpu.memref_slice %arg5[%dma_wait3A_152, %dma_wait3A_156] : memref<8x128xi32, #tpu.memory_space<vmem>> -> memref<1x128xi32, #tpu.memory_space<vmem>>
      %dma_wait3A_158 = tpu.memref_squeeze %dma_wait3A_157 : memref<1x128xi32, #tpu.memory_space<vmem>> -> memref<128xi32, #tpu.memory_space<vmem>>
      %dma_wait3A_159 = arith.constant 0 : i32
      %dma_wait3A_160 = arith.constant 0 : i32
      %dma_wait3A_161 = tpu.memref_slice %arg2[%dma_wait3A_159, %dma_wait3A_160] : memref<1000000x32xf32, #tpu.memory_space<hbm>> -> memref<1000000x32xf32, #tpu.memory_space<hbm>>
      tpu.wait_indirect_dma semaphore(%arg7 : memref<!tpu.dma_semaphore, #tpu.memory_space<semaphore_mem>>) src(%dma_wait3A_161 : memref<1000000x32xf32, #tpu.memory_space<hbm>>) dst(%dma_wait3A_155 : memref<128x32xf32, #tpu.memory_space<vmem>>)
      %dma_wait3A_162 = arith.constant 4 : i32
      %dma_wait3A_163 = arith.constant 512 : i32
      %dma_wait3A_164 = arith.constant 0 : i32
      %dma_wait3A_165 = tpu.memref_slice %arg6[%dma_wait3A_163, %dma_wait3A_164] : memref<1024x32xf32, #tpu.memory_space<vmem>> -> memref<128x32xf32, #tpu.memory_space<vmem>>
      %dma_wait3A_166 = arith.constant 0 : i32
      %dma_wait3A_167 = tpu.memref_slice %arg5[%dma_wait3A_162, %dma_wait3A_166] : memref<8x128xi32, #tpu.memory_space<vmem>> -> memref<1x128xi32, #tpu.memory_space<vmem>>
      %dma_wait3A_168 = tpu.memref_squeeze %dma_wait3A_167 : memref<1x128xi32, #tpu.memory_space<vmem>> -> memref<128xi32, #tpu.memory_space<vmem>>
      %dma_wait3A_169 = arith.constant 0 : i32
      %dma_wait3A_170 = arith.constant 0 : i32
      %dma_wait3A_171 = tpu.memref_slice %arg2[%dma_wait3A_169, %dma_wait3A_170] : memref<1000000x32xf32, #tpu.memory_space<hbm>> -> memref<1000000x32xf32, #tpu.memory_space<hbm>>
      tpu.wait_indirect_dma semaphore(%arg7 : memref<!tpu.dma_semaphore, #tpu.memory_space<semaphore_mem>>) src(%dma_wait3A_171 : memref<1000000x32xf32, #tpu.memory_space<hbm>>) dst(%dma_wait3A_165 : memref<128x32xf32, #tpu.memory_space<vmem>>)
      %dma_wait3A_172 = arith.constant 5 : i32
      %dma_wait3A_173 = arith.constant 640 : i32
      %dma_wait3A_174 = arith.constant 0 : i32
      %dma_wait3A_175 = tpu.memref_slice %arg6[%dma_wait3A_173, %dma_wait3A_174] : memref<1024x32xf32, #tpu.memory_space<vmem>> -> memref<128x32xf32, #tpu.memory_space<vmem>>
      %dma_wait3A_176 = arith.constant 0 : i32
      %dma_wait3A_177 = tpu.memref_slice %arg5[%dma_wait3A_172, %dma_wait3A_176] : memref<8x128xi32, #tpu.memory_space<vmem>> -> memref<1x128xi32, #tpu.memory_space<vmem>>
      %dma_wait3A_178 = tpu.memref_squeeze %dma_wait3A_177 : memref<1x128xi32, #tpu.memory_space<vmem>> -> memref<128xi32, #tpu.memory_space<vmem>>
      %dma_wait3A_179 = arith.constant 0 : i32
      %dma_wait3A_180 = arith.constant 0 : i32
      %dma_wait3A_181 = tpu.memref_slice %arg2[%dma_wait3A_179, %dma_wait3A_180] : memref<1000000x32xf32, #tpu.memory_space<hbm>> -> memref<1000000x32xf32, #tpu.memory_space<hbm>>
      tpu.wait_indirect_dma semaphore(%arg7 : memref<!tpu.dma_semaphore, #tpu.memory_space<semaphore_mem>>) src(%dma_wait3A_181 : memref<1000000x32xf32, #tpu.memory_space<hbm>>) dst(%dma_wait3A_175 : memref<128x32xf32, #tpu.memory_space<vmem>>)
      %dma_wait3A_182 = arith.constant 6 : i32
      %dma_wait3A_183 = arith.constant 768 : i32
      %dma_wait3A_184 = arith.constant 0 : i32
      %dma_wait3A_185 = tpu.memref_slice %arg6[%dma_wait3A_183, %dma_wait3A_184] : memref<1024x32xf32, #tpu.memory_space<vmem>> -> memref<128x32xf32, #tpu.memory_space<vmem>>
      %dma_wait3A_186 = arith.constant 0 : i32
      %dma_wait3A_187 = tpu.memref_slice %arg5[%dma_wait3A_182, %dma_wait3A_186] : memref<8x128xi32, #tpu.memory_space<vmem>> -> memref<1x128xi32, #tpu.memory_space<vmem>>
      %dma_wait3A_188 = tpu.memref_squeeze %dma_wait3A_187 : memref<1x128xi32, #tpu.memory_space<vmem>> -> memref<128xi32, #tpu.memory_space<vmem>>
      %dma_wait3A_189 = arith.constant 0 : i32
      %dma_wait3A_190 = arith.constant 0 : i32
      %dma_wait3A_191 = tpu.memref_slice %arg2[%dma_wait3A_189, %dma_wait3A_190] : memref<1000000x32xf32, #tpu.memory_space<hbm>> -> memref<1000000x32xf32, #tpu.memory_space<hbm>>
      tpu.wait_indirect_dma semaphore(%arg7 : memref<!tpu.dma_semaphore, #tpu.memory_space<semaphore_mem>>) src(%dma_wait3A_191 : memref<1000000x32xf32, #tpu.memory_space<hbm>>) dst(%dma_wait3A_185 : memref<128x32xf32, #tpu.memory_space<vmem>>)
      %dma_wait3A_192 = arith.constant 7 : i32
      %dma_wait3A_193 = arith.constant 896 : i32
      %dma_wait3A_194 = arith.constant 0 : i32
      %dma_wait3A_195 = tpu.memref_slice %arg6[%dma_wait3A_193, %dma_wait3A_194] : memref<1024x32xf32, #tpu.memory_space<vmem>> -> memref<128x32xf32, #tpu.memory_space<vmem>>
      %dma_wait3A_196 = arith.constant 0 : i32
      %dma_wait3A_197 = tpu.memref_slice %arg5[%dma_wait3A_192, %dma_wait3A_196] : memref<8x128xi32, #tpu.memory_space<vmem>> -> memref<1x128xi32, #tpu.memory_space<vmem>>
      %dma_wait3A_198 = tpu.memref_squeeze %dma_wait3A_197 : memref<1x128xi32, #tpu.memory_space<vmem>> -> memref<128xi32, #tpu.memory_space<vmem>>
      %dma_wait3A_199 = arith.constant 0 : i32
      %dma_wait3A_200 = arith.constant 0 : i32
      %dma_wait3A_201 = tpu.memref_slice %arg2[%dma_wait3A_199, %dma_wait3A_200] : memref<1000000x32xf32, #tpu.memory_space<hbm>> -> memref<1000000x32xf32, #tpu.memory_space<hbm>>
      tpu.wait_indirect_dma semaphore(%arg7 : memref<!tpu.dma_semaphore, #tpu.memory_space<semaphore_mem>>) src(%dma_wait3A_201 : memref<1000000x32xf32, #tpu.memory_space<hbm>>) dst(%dma_wait3A_195 : memref<128x32xf32, #tpu.memory_space<vmem>>)
      %mul3A_202 = arith.constant 1024 : i32
      %mul3A_203 = arith.muli %scan3A_40, %mul3A_202 : i32
      %add3A_204 = arith.addi %mul3A_32, %mul3A_203 : i32
      %mul3A_205 = arith.constant 32 : i32
      %mul3A_206 = arith.muli %select_n3A, %mul3A_205 : i32
      "tpu.region"() ({
        %run_scoped3A = tpu.sem_alloc : memref<!tpu.dma_semaphore, #tpu.memory_space<semaphore_mem>>
        %dma_start3A_207 = tpu.memref_slice %arg4[%add3A_204, %mul3A_206] : memref<106496x128xf32, #tpu.memory_space<hbm>> -> memref<1024x32xf32, #tpu.memory_space<hbm>>
        %dma_start3A_208 = tpu.memref_slice %arg4[%add3A_204, %mul3A_206] : memref<106496x128xf32, #tpu.memory_space<hbm>> -> memref<1024x32xf32, #tpu.memory_space<hbm>>
        tpu.enqueue_dma source(%arg6 : memref<1024x32xf32, #tpu.memory_space<vmem>>) target(%dma_start3A_208 : memref<1024x32xf32, #tpu.memory_space<hbm>>) target_semaphore(%run_scoped3A : memref<!tpu.dma_semaphore, #tpu.memory_space<semaphore_mem>>)
        %dma_wait3A_209 = tpu.memref_slice %arg4[%add3A_204, %mul3A_206] : memref<106496x128xf32, #tpu.memory_space<hbm>> -> memref<1024x32xf32, #tpu.memory_space<hbm>>
        %dma_wait3A_210 = tpu.memref_slice %arg4[%add3A_204, %mul3A_206] : memref<106496x128xf32, #tpu.memory_space<hbm>> -> memref<1024x32xf32, #tpu.memory_space<hbm>>
        tpu.wait_dma2 semaphore(%run_scoped3A : memref<!tpu.dma_semaphore, #tpu.memory_space<semaphore_mem>>) src(%arg6 : memref<1024x32xf32, #tpu.memory_space<vmem>>) dst(%dma_wait3A_210 : memref<1024x32xf32, #tpu.memory_space<hbm>>)
        tpu.yield
      }) : () -> ()
    }
    %scan3A_39 = arith.constant 13 : i32
    return
  }
}

module attributes {stable_mosaic.version = 14 : i64} {
  func.func @_mm_body(%arg0: i32, %arg1: i32, %arg2: memref<832x128xf32, #tpu.memory_space<vmem>>, %arg3: memref<128x128xf32, #tpu.memory_space<vmem>>, %arg4: memref<1x128xf32, #tpu.memory_space<vmem>>, %arg5: memref<32x26x128xf32, #tpu.memory_space<vmem>>) attributes {dimension_semantics = [#tpu.dimension_semantics<arbitrary>, #tpu.dimension_semantics<arbitrary>], iteration_bounds = array<i64: 128, 4>, scalar_prefetch = 0 : i64, scratch_operands = 0 : i64, tpu.core_type = #tpu.core_type<tc>, window_params = [{transform_indices = @transform_0, window_bounds = array<i64: 832, 128>}, {transform_indices = @transform_1, window_bounds = array<i64: 128, 128>}, {pipeline_mode = #tpu.pipeline_mode<synchronous>, transform_indices = @transform_2, window_bounds = array<i64: 1, 128>}, {transform_indices = @transform_3, window_bounds = array<i64: 32, 26, 128>}]} {
    %get3A = arith.constant 0 : index
    %get3A_0 = arith.constant 0 : index
    %get3A_1 = vector.load %arg2[%get3A, %get3A_0] : memref<832x128xf32, #tpu.memory_space<vmem>>, vector<832x128xf32>
    %get3A_2 = arith.constant 0 : index
    %get3A_3 = arith.constant 0 : index
    %get3A_4 = vector.load %arg3[%get3A_2, %get3A_3] : memref<128x128xf32, #tpu.memory_space<vmem>>, vector<128x128xf32>
    %dot_general3A = arith.constant dense<0.000000e+00> : vector<832x128xf32>
    %dot_general3A_5 = tpu.matmul %get3A_1, %get3A_4, %dot_general3A {dimension_numbers = #tpu.dot_dimension_numbers<[1], [0], [0], [1], [0, 0, 1, 1], [], []>, transpose_lhs_hint = false} : vector<832x128xf32>, vector<128x128xf32>, vector<832x128xf32> -> vector<832x128xf32>
    %get3A_6 = arith.constant 0 : index
    %get3A_7 = arith.constant 0 : index
    %get3A_8 = vector.load %arg4[%get3A_6, %get3A_7] : memref<1x128xf32, #tpu.memory_space<vmem>>, vector<1x128xf32>
    %add3A = vector.broadcast %get3A_8 : vector<1x128xf32> to vector<832x128xf32>
    %add3A_9 = arith.addf %dot_general3A_5, %add3A : vector<832x128xf32>
    %reshape3A = vector.shape_cast %add3A_9 : vector<832x128xf32> to vector<32x26x128xf32>
    %swap3A = arith.constant 0 : index
    %swap3A_10 = arith.constant 0 : index
    %swap3A_11 = arith.constant 0 : index
    %swap3A_12 = vector.load %arg5[%swap3A, %swap3A_10, %swap3A_11] : memref<32x26x128xf32, #tpu.memory_space<vmem>>, vector<32x26x128xf32>
    tpu.vector_store %arg5[%swap3A, %swap3A_10, %swap3A_11], %reshape3A {strides = array<i32>} : memref<32x26x128xf32, #tpu.memory_space<vmem>>, vector<32x26x128xf32>,
    return
  }
  func.func @transform_0(%arg0: i32, %arg1: i32) -> (i32, i32) {
    %c0_i32 = arith.constant 0 : i32
    %c0_i32_0 = arith.constant 0 : i32
    return %arg0, %c0_i32 : i32, i32
  }
  func.func @transform_1(%arg0: i32, %arg1: i32) -> (i32, i32) {
    %c0_i32 = arith.constant 0 : i32
    %c0_i32_0 = arith.constant 0 : i32
    return %c0_i32, %arg1 : i32, i32
  }
  func.func @transform_2(%arg0: i32, %arg1: i32) -> (i32, i32) {
    %c0_i32 = arith.constant 0 : i32
    %c0_i32_0 = arith.constant 0 : i32
    %c0_i32_1 = arith.constant 0 : i32
    return %c0_i32, %c0_i32_0 : i32, i32
  }
  func.func @transform_3(%arg0: i32, %arg1: i32) -> (i32, i32, i32) {
    %mul3A = arith.constant 128 : i32
    %mul3A_0 = arith.muli %arg1, %mul3A : i32
    %add3A = arith.addi %mul3A_0, %arg0 : i32
    %c0_i32 = arith.constant 0 : i32
    %c0_i32_1 = arith.constant 0 : i32
    %c0_i32_2 = arith.constant 0 : i32
    return %add3A, %c0_i32, %c0_i32_1 : i32, i32, i32
  }
}

</mosaic_0001>

<sc_bundles>
// kernel: kernel.4.cloned.1.call-start
scs
__scs_entry_jumppad:
0x0: {  	(pc) =	sbr.rel $0x88, $3  }
0x1: {  	(tag) =	ssettag $0x0;
	lr =	simm.s32 $0x1  }
0x2: {  	[smem:$0x3F9D] =	sst lr;
	_ =	strace $0xD0000000  }
0x3: {  	_ = 	snop  }
0x4: {  	_ = 	snop  }
0x5: {  	_ = 	snop  }
0x6: {  	_ = 	snop  }
0x7: {  	_ = 	snop  }
__scs_overlays_trampoline_lowered:
0x8: {  	[smem:$0x3FAC] =	sst s0  }
0x9: {  	[smem:$0x3FAD] =	sst s1  }
0xa: {  	[smem:$0x3FAE] =	sst s2  }
0xb: {  	[smem:$0x3FAF] =	sst s3  }
0xc: {  	[smem:$0x3FB0] =	sst s4  }
0xd: {  	[smem:$0x3FB1] =	sst s5  }
0xe: {  	[smem:$0x3FB2] =	sst s6  }
0xf: {  	[smem:$0x3FB3] =	sst s7  }
0x10: {  	[smem:$0x3FB4] =	sst s8  }
0x11: {  	[smem:$0x3FB5] =	sst s9;
	s0 =	simm.s32 @!p0 $0x0  }
0x12: {  	s1 =	sld [smem:$0x3F9B];
	s0 =	simm.s32 @p0 $0x1  }
0x13: {  	[smem:$0x3FB6] =	sst s0;
	s0 =	simm.s32 @!p1 $0x0  }
0x14: {  	s2 =	sld [smem:$0x3F9A];
	s0 =	simm.s32 @p1 $0x1  }
0x15: {  	[smem:$0x3FB7] =	sst s0;
	s0 =	simm.s32 @!p2 $0x0  }
0x16: {  	s3 =	sld [smem:$0x3FDB];
	s0 =	simm.s32 @p2 $0x1  }
0x17: {  	s4 =	simm.s32 $0x1BF5;
	[smem:$0x3FB9] =	sst s0  }
0x18: {  	s0 =	sld [smem:$0x3F9C];
	_ =	swait.ge [sflag:s4], $0x0  }
0x19: {  	s7 =	sld [smem:$0x3F9D]  }
0x1a: {  	s8 =	sadd.s32 $0xFFFFE003, lr  }
0x1b: {  	s9 =	sadd.s32 $0xFFFFFEF7, lr;
	s5 =	simm.s32 $0xFFFFFFFF;
	p2 =	slt.u32 s8, $0xFFFFF086  }
0x1c: {  	p1 =	slt.u32 s9, $0xF7A;
	s5 =	simm.s32 @!p2 $0x0  }
0x1d: {  	s5 =	simm.s32 @p1 $0x1;
	p0 =	seq.s32 s7, s2  }
0x1e: {  	s7 =	smul.u32 @!p0 $0xF7A, s2;
	p2 =	seq.s32 @!p0 s5, $0x0  }
0x1f: {  	s9 =	smul.u32 $0xF7A, s1;
	s8 =	simm.s32 @!p0 $0x1BF5;
	p2 =	por !p2, p0  }
0x20: {  	[sflag:s8] =	ssyncset.s32 @!p0 $0xFFFFF086;
	s6 =	sadd.s32 @!p0 s3, s7;
	s7 =	simm.s32 @!p0 $0x108  }
0x21: {  	s3 =	sadd.s32 s3, s9;
	s6 =	sadd.s32 @!p0 $0x88, s6;
	s7 =	simm.s32 @p2 $0x1082  }
0x22: {  	[simem:s7], [sflag:s8] =	dma.local @!p0 [hbm:s6], $0xF7A  }
0x23: {  	s9 =	sor.u32 $0xD0000000, s2;
	s6 =	simm.s32 $0x108;
	_ =	swait.ge @!p0 [sflag:s8], $0x0  }
0x24: {  	s3 =	sadd.s32 $0x88, s3;
	s6 =	simm.s32 @!p1 $0x1082;
	[sflag:s4] =	ssyncset.s32 $0xFFFFF086  }
0x25: {  	[simem:s6], [sflag:s4] =	dma.local [hbm:s3], $0xF7A  }
0x26: {  	[smem:$0x3F9D] =	sst s1;
	(tag) =	ssettag s2;
	_ =	strace s9  }
0x27: {  	s1 =	sld [smem:$0x3FAD]  }
0x28: {  	s2 =	sld [smem:$0x3FAE]  }
0x29: {  	s4 =	sld [smem:$0x3FB0]  }
0x2a: {  	p0 =	seq.s32 s5, $0x0;
	s5 =	sld [smem:$0x3FB1]  }
0x2b: {  	s6 =	sld [smem:$0x3FB2]  }
0x2c: {  	s7 =	sld [smem:$0x3FB3]  }
0x2d: {  	s3 =	simm.s32 $0x108;
	s8 =	sld [smem:$0x3FB4]  }
0x2e: {  	s3 =	simm.s32 @!p0 $0x1082;
	s9 =	sld [smem:$0x3FB5]  }
0x2f: {  	lr =	sadd.s32 s0, s3;
	s0 =	sld [smem:$0x3FAC]  }
0x30: {  	s3 =	sld [smem:$0x3FAF]  }
0x31: {  	[smem:$0x3FB8] =	sst s10  }
0x32: {  	s10 =	sld [smem:$0x3FB6];
	_ =	sdelay $0x3  }
0x33: {  	p0 =	seq.s32 s10, $0x1;
	s10 =	sld [smem:$0x3FB8];
	_ =	sdelay $0x3  }
0x34: {  	[smem:$0x3FB8] =	sst s10  }
0x35: {  	s10 =	sld [smem:$0x3FB7];
	_ =	sdelay $0x3  }
0x36: {  	p1 =	seq.s32 s10, $0x1;
	s10 =	sld [smem:$0x3FB8];
	_ =	sdelay $0x3  }
0x37: {  	[smem:$0x3FB8] =	sst s10  }
0x38: {  	s10 =	sld [smem:$0x3FB9]  }
0x39: {  	_ = 	snop;
	(pc) =	sbr.ind lr, $3  }
0x3a: {  	_ = 	snop  }
0x3b: {  	_ = 	snop  }
0x3c: {  	p2 =	seq.s32 s10, $0x1;
	s10 =	sld [smem:$0x3FB8]  }
0x3d: {  	_ =	shalt  }
0x3e: {  	_ =	shalt  }
0x3f: {  	_ =	shalt  }
0x40: {  	_ =	shalt  }
0x41: {  	_ =	shalt  }
0x42: {  	_ =	shalt  }
0x43: {  	_ =	shalt  }
0x44: {  	_ =	shalt  }
0x45: {  	_ =	shalt  }
0x46: {  	_ =	shalt  }
0x47: {  	_ =	shalt  }
0x48: {  	_ =	shalt  }
0x49: {  	_ =	shalt  }
0x4a: {  	_ =	shalt  }
0x4b: {  	_ =	shalt  }
0x4c: {  	_ =	shalt  }
0x4d: {  	_ =	shalt  }
0x4e: {  	_ =	shalt  }
0x4f: {  	_ =	shalt  }
0x50: {  	_ =	shalt  }
0x51: {  	_ =	shalt  }
0x52: {  	_ =	shalt  }
0x53: {  	_ =	shalt  }
0x54: {  	_ =	shalt  }
0x55: {  	_ =	shalt  }
0x56: {  	_ =	shalt  }
0x57: {  	_ =	shalt  }
0x58: {  	_ =	shalt  }
0x59: {  	_ =	shalt  }
0x5a: {  	_ =	shalt  }
0x5b: {  	_ =	shalt  }
0x5c: {  	_ =	shalt  }
0x5d: {  	_ =	shalt  }
0x5e: {  	_ =	shalt  }
0x5f: {  	_ =	shalt  }
0x60: {  	_ =	shalt  }
0x61: {  	_ =	shalt  }
0x62: {  	_ =	shalt  }
0x63: {  	_ =	shalt  }
0x64: {  	_ =	shalt  }
0x65: {  	_ =	shalt  }
0x66: {  	_ =	shalt  }
0x67: {  	_ =	shalt  }
0x68: {  	_ =	shalt  }
0x69: {  	_ =	shalt  }
0x6a: {  	_ =	shalt  }
0x6b: {  	_ =	shalt  }
0x6c: {  	_ =	shalt  }
0x6d: {  	_ =	shalt  }
0x6e: {  	_ =	shalt  }
0x6f: {  	_ =	shalt  }
0x70: {  	_ =	shalt  }
0x71: {  	_ =	shalt  }
0x72: {  	_ =	shalt  }
0x73: {  	_ =	shalt  }
0x74: {  	_ =	shalt  }
0x75: {  	_ =	shalt  }
0x76: {  	_ =	shalt  }
0x77: {  	_ =	shalt  }
0x78: {  	_ =	shalt  }
0x79: {  	_ =	shalt  }
0x7a: {  	_ =	shalt  }
0x7b: {  	_ =	shalt  }
0x7c: {  	_ =	shalt  }
0x7d: {  	_ =	shalt  }
0x7e: {  	_ =	shalt  }
0x7f: {  	_ =	shalt  }
0x80: {  	_ =	shalt  }
0x81: {  	_ =	shalt  }
0x82: {  	_ =	shalt  }
0x83: {  	_ =	shalt  }
0x84: {  	_ =	shalt  }
0x85: {  	_ =	shalt  }
0x86: {  	_ =	shalt  }
0x87: {  	_ =	shalt  }
.Lfunc_end0:
.L_simem_size_0:
called_computation_lowered:
.L_overlay_start_0:
0x88: {  	s2 =	sld [smem:$0x3FD9]  }
0x89: {  	s3 =	sld [smem:$0x3FFE];
	_ =	sdelay $0x1  }
0x8a: {  	s1 =	srdreg.scid  }
0x8b: {  	s0 =	sand.u32 $0x1, s1  }
0x8c: {  	s17 =	sshll.u32 s0, $0xA;
	s2 =	sadd.s32 s3, s2  }
0x8d: {  	s2 =	sadd.s32 s2, s17  }
0x8e: {  	[smem:$0x3FC4] =	sst s2  }
0x8f: {  	_ = 	snop  }
0x90: {  	s2 =	sld [smem:$0x3FD0];
	(tm) =	ssettm $0x1  }
0x91: {  	s18 =	sld [smem:$0x3FFB];
	_ =	sdelay $0x3  }
0x92: {  	_ =	strace s18  }
0x93: {  	s3 =	sld [smem:$0x3FFC];
	_ =	sdelay $0x3  }
0x94: {  	_ =	strace s3  }
0x95: {  	s3 =	sld [smem:$0x3FFD];
	_ =	sdelay $0x3  }
0x96: {  	_ =	strace s3  }
0x97: {  	_ =	strace $0x8FFFFFFF  }
0x98: {  	s19 =	sld [smem:$0x3FDB];
	_ =	sdelay $0x1  }
0x99: {  	s4 =	simm.s32 $_scs_section_size  }
0x9a: {  	s5 =	simm.s32 $_size__tile_overlayer_lowered;
	s6 =	simm.s32 $_tile_overlayer_lowered  }
0x9b: {  	s22 =	simm.s32 $0x1BFF;
	s21 =	sshll.u32 s6, $0x1;
	s3 =	sadd.s32 s4, s19  }
0x9c: {  	s7 =	simm.s32 $0x0;
	s20 =	sshll.u32 s5, $0x1;
	s5 =	sadd.s32 s21, s3  }
0x9d: {  	[timem:s7], [sflag:s22] =	dma.local [hbm:s5], s20  }
0x9e: {  	_ =	swait.ge [sflag:s22], s20  }
0x9f: {  	s4 =	ssub.s32 $0x0, s20;
	[sflag:s22] =	ssyncset.done $0x0  }
0xa0: {  	[sflag:s22] =	ssyncadd.s32 s4;
	_ =	sdelay $0x1  }
0xa1: {  	s23 =	simm.s32 $0x1B8B  }
0xa2: {  	_ =	swait.ge [sflag:s23], $0x1  }
0xa3: {  	[sflag:s23] =	ssyncset.done $0x0  }
0xa4: {  	s25 =	simm.s32 $0x1B8E;
	s24 =	sld [smem:$0x3FFE];
	[sflag:s23] =	ssyncadd.s32 $0xFFFFFFFF  }
0xa5: {  	s26 =	simm.s32 $execute0_lowered;
	[smem:$0x3FD2] =	sst s25  }
0xa6: {  	s5 =	sshll.u32 s26, $0x1;
	_ =	strace $0x80000046;
	[dreg:$0x1] =	wrdreg $0xFFFFFFFF  }
0xa7: {  	s28 =	simm.s32 $_size_execute0_lowered;
	s3 =	sadd.s32 s3, s5;
	[dreg:$0x0] =	wrdreg $0x0  }
0xa8: {  	s5 =	sshll.u32 s28, $0x1;
	[dreg:$0x2] =	wrdreg s3  }
0xa9: {  	[dreg:$0x3] =	wrdreg s5  }
0xaa: {  	[dreg:$0x4] =	wrdreg $0xC0  }
0xab: {  	_ =	task [dreg:s7], $0x5FFFF  }
0xac: {  	[dreg:$0x1] =	wrdreg $0xFFFFFFFF  }
0xad: {  	[dreg:$0x0] =	wrdreg $0x60  }
0xae: {  	[dreg:$0x2] =	wrdreg s2  }
0xaf: {  	[dreg:$0x3] =	wrdreg s24  }
0xb0: {  	[dreg:$0x4] =	wrdreg $0x9  }
0xb1: {  	_ =	task.clear_ibuf [dreg:s7], $0x5FFFF;
	_ =	strace $0x90000046  }
0xb2: {  	s29 =	simm.s32 $0x9;
	_ =	strace $0x80000048  }
0xb3: {  	_ =	swait.ge [sflag:s29], $0x1  }
0xb4: {  	[sflag:s29] =	ssyncadd.s32 $0xFFFFFFFF  }
0xb5: {  	_ =	strace $0x90000048  }
0xb6: {  	_ =	sfence  }
0xb7: {  	s30 =	sld [smem:$0x0];
	_ =	sdelay $0x2  }
0xb8: {  	s31 =	sshll.u32 s1, $0xD;
	s1 =	sshrl.u32 s1, $0x2  }
0xb9: {  	s3 =	sand.u32 $0x4000, s31;
	s1 =	sadd.s32 s1, s30  }
0xba: {  	s0 =	sor.u32 s3, s0;
	s1 =	sshll.u32 s1, $0x11  }
0xbb: {  	s0 =	sor.u32 s1, s0  }
0xbc: {  	s0 =	sadd.s32 $0x8F2B, s0  }
0xbd: {  	[sflag:s0] =	ssyncadd.remote.s32 $0x1  }
0xbe: {  	_ =	sfence.sel $0xFFFF  }
0xbf: {  	[dreg:$0x0] =	wrdreg $0xFFFFFFFF;
	(pc) =	sbr.abs _section_cstart, $3  }
0xc0: {  	[dreg:$0x1] =	wrdreg $0xFFFFFFFF  }
0xc1: {  	_ =	task.clear_ibuf [dreg:s7], $0x2FFFF;
	_ =	strace $0x9FFFFFFF  }
0xc2: {  	(tm) =	ssettm $0x7FFFFFFF  }
0xc3: {  	_ =	shalt  }
tec
execute0_lowered:
.L_overlay_start_1:
0x0: {  	(tag) =	ssettag $0x1  }
0x1: {  	s2 =	rddreg [dreg:$0x0]  }
0x2: {  	s1 =	srdreg.scid;
	s0 =	stileid.u32  }
0x3: {  	s4 =	rddreg [dreg:$0x1];
	s10 =	simm.s32 $0x1400;
	s11 =	simm.s32 $0x100  }
0x4: {  	s12 =	simm.s32 $0x2400;
	s13 =	simm.s32 $0x180;
	s14 =	simm.s32 $0x3400  }
0x5: {  	s15 =	simm.s32 $0x200;
	s16 =	simm.s32 $0x4400;
	s17 =	simm.s32 $0x280  }
0x6: {  	s18 =	simm.s32 $0x5400;
	s19 =	simm.s32 $0x300;
	s20 =	simm.s32 $0x6400  }
0x7: {  	s21 =	simm.s32 $0x380;
	s22 =	simm.s32 $0x7400;
	s23 =	simm.s32 $0x1  }
0x8: {  	s24 =	simm.s32 $0x20;
	s25 =	simm.s32 $0x0;
	s5 =	sand.u32 $0x1, s1  }
0x9: {  	s3 =	sshll.u32 s0, $0x1;
	s1 =	rddreg [dreg:$0x2];
	s6 =	smul.u32 $0x6800, s0  }
0xa: {  	s9 =	sshll.u32 s0, $0x3;
	s7 =	sor.u32 s5, s3;
	s3 =	simm.s32 $0x0  }
0xb: {  	s8 =	smul.u32 $0x3400, s5;
	s9 =	sand.u32 $0x60, s9;
	s7 =	sand.u32 $0x7, s7  }
0xc: {  	s5 =	ssub.s32 $0x2, s5;
	[smem:$0x7FF] =	sst s3;
	s7 =	smul.u32 $0x1A0000, s7  }
0xd: {  	s31 =	sshrl.u32 s5, $0x1;
	_ =	strace $0x80000047;
	s6 =	sadd.s32 s8, s6  }
0xe: {  	s5 =	ssub.s32 s5, s31;
	s6 =	sshrl.u32 s6, $0x3;
	s7 =	sor.u32 s9, s7  }
0xf: {  	s8 =	simm.s32 $0x80;
	s6 =	sadd.s32 s6, s4;
	s7 =	sshrl.u32 s7, $0x3  }
0x10: {  	s9 =	simm.s32 $0x400;
	s6 =	sadd.s32 $0xA00, s6;
	s7 =	sadd.s32 s7, s4  }
0x11: {  	s4 =	smax.u32 s5, $0x1;
	s5 =	sadd.s32 $0xDA00, s7;
	s7 =	simm.s32 $0x2  }
.LBB2_1:
0x12: {  	s26 =	sadd.s32 $0x0, s6  }
0x13: {  	[tilespmem:s3], [sflag:$0x2] =	stream.linear.gather [hbm4b:s26+s3], $0x400, $0x38;
	[tilespmem:$0x8400] =	vst v63  }
0x14: {  	_ =	swait.ge [sflag:s7], $0x400  }
0x15: {  	[sflag:s7] =	ssyncset.done $0x0  }
0x16: {  	[sflag:s7] =	ssyncadd.s32 $0xFFFFFC00  }
0x17: {  	[tilespmem:s9], [sflag:$0x1] =	stream.indirect.gather [hbm4b:s2+s8], $0x20, s3, s8, $0xb8;
	[tilespmem:$0x8400] =	vst v63  }
0x18: {  	_ = 	snop  }
0x19: {  	[tilespmem:s10], [sflag:$0x1] =	stream.indirect.gather [hbm4b:s2+s8], $0x20, s8, s8, $0xb8;
	[tilespmem:$0x8400] =	vst v63  }
0x1a: {  	_ = 	snop  }
0x1b: {  	[tilespmem:s12], [sflag:$0x1] =	stream.indirect.gather [hbm4b:s2+s8], $0x20, s11, s8, $0xb8;
	[tilespmem:$0x8400] =	vst v63  }
0x1c: {  	_ = 	snop  }
0x1d: {  	[tilespmem:s14], [sflag:$0x1] =	stream.indirect.gather [hbm4b:s2+s8], $0x20, s13, s8, $0xb8;
	[tilespmem:$0x8400] =	vst v63  }
0x1e: {  	_ = 	snop  }
0x1f: {  	[tilespmem:s16], [sflag:$0x1] =	stream.indirect.gather [hbm4b:s2+s8], $0x20, s15, s8, $0xb8;
	[tilespmem:$0x8400] =	vst v63  }
0x20: {  	_ = 	snop  }
0x21: {  	[tilespmem:s18], [sflag:$0x1] =	stream.indirect.gather [hbm4b:s2+s8], $0x20, s17, s8, $0xb8;
	[tilespmem:$0x8400] =	vst v63  }
0x22: {  	_ = 	snop  }
0x23: {  	[tilespmem:s20], [sflag:$0x1] =	stream.indirect.gather [hbm4b:s2+s8], $0x20, s19, s8, $0xb8;
	[tilespmem:$0x8400] =	vst v63  }
0x24: {  	_ = 	snop  }
0x25: {  	[tilespmem:s22], [sflag:$0x1] =	stream.indirect.gather [hbm4b:s2+s8], $0x20, s21, s8, $0xb8;
	[tilespmem:$0x8400] =	vst v63  }
0x26: {  	_ =	swait.ge [sflag:s23], $0x1000  }
0x27: {  	[sflag:s23] =	ssyncset.done $0x0  }
0x28: {  	[sflag:s23] =	ssyncadd.s32 $0xFFFFF000  }
0x29: {  	_ =	swait.ge [sflag:s23], $0x1000  }
0x2a: {  	[sflag:s23] =	ssyncset.done $0x0  }
0x2b: {  	[sflag:s23] =	ssyncadd.s32 $0xFFFFF000  }
0x2c: {  	_ =	swait.ge [sflag:s23], $0x1000  }
0x2d: {  	[sflag:s23] =	ssyncset.done $0x0  }
0x2e: {  	[sflag:s23] =	ssyncadd.s32 $0xFFFFF000  }
0x2f: {  	_ =	swait.ge [sflag:s23], $0x1000  }
0x30: {  	[sflag:s23] =	ssyncset.done $0x0  }
0x31: {  	[sflag:s23] =	ssyncadd.s32 $0xFFFFF000  }
0x32: {  	_ =	swait.ge [sflag:s23], $0x1000  }
0x33: {  	[sflag:s23] =	ssyncset.done $0x0  }
0x34: {  	[sflag:s23] =	ssyncadd.s32 $0xFFFFF000  }
0x35: {  	_ =	swait.ge [sflag:s23], $0x1000  }
0x36: {  	[sflag:s23] =	ssyncset.done $0x0  }
0x37: {  	[sflag:s23] =	ssyncadd.s32 $0xFFFFF000  }
0x38: {  	_ =	swait.ge [sflag:s23], $0x1000  }
0x39: {  	[sflag:s23] =	ssyncset.done $0x0  }
0x3a: {  	[sflag:s23] =	ssyncadd.s32 $0xFFFFF000  }
0x3b: {  	_ =	swait.ge [sflag:s23], $0x1000  }
0x3c: {  	[sflag:s23] =	ssyncset.done $0x0  }
0x3d: {  	[sflag:s23] =	ssyncadd.s32 $0xFFFFF000  }
0x3e: {  	[hbm4b:s5+s24] =	stream.strided.scatter [tilespmem:s9], [sflag:$0x2], $0x8000, s8, s24, $0x38;
	[tilespmem:$0x8400] =	vst v63  }
0x3f: {  	s28 =	simm.s32 $0x80;
	_ =	swait.ge [sflag:s7], $0x8000  }
0x40: {  	s30 =	simm.s32 $0x100;
	s26 =	sadd.s32 $0x4000, s5;
	[sflag:s7] =	ssyncset.done $0x0  }
.LBB2_2:
0x41: {  	s31 =	sadd.s32 s28, s6  }
0x42: {  	[sflag:s7] =	ssyncadd.s32 $0xFFFF8000;
	s28 =	smov.u32 s30;
	s29 =	sadd.s32 $0x80, s30  }
0x43: {  	[tilespmem:s3], [sflag:$0x2] =	stream.linear.gather [hbm4b:s31+s3], $0x400, $0x38;
	[tilespmem:$0x8400] =	vst v63  }
0x44: {  	p0 =	sne.s32 s30, $0x600;
	_ =	swait.ge [sflag:s7], $0x400  }
0x45: {  	[sflag:s7] =	ssyncset.done $0x0  }
0x46: {  	[sflag:s7] =	ssyncadd.s32 $0xFFFFFC00  }
0x47: {  	[tilespmem:s9], [sflag:$0x1] =	stream.indirect.gather [hbm4b:s2+s8], $0x20, s3, s8, $0xb8;
	[tilespmem:$0x8400] =	vst v63  }
0x48: {  	_ = 	snop  }
0x49: {  	[tilespmem:s10], [sflag:$0x1] =	stream.indirect.gather [hbm4b:s2+s8], $0x20, s8, s8, $0xb8;
	[tilespmem:$0x8400] =	vst v63  }
0x4a: {  	_ = 	snop  }
0x4b: {  	[tilespmem:s12], [sflag:$0x1] =	stream.indirect.gather [hbm4b:s2+s8], $0x20, s11, s8, $0xb8;
	[tilespmem:$0x8400] =	vst v63  }
0x4c: {  	_ = 	snop  }
0x4d: {  	[tilespmem:s14], [sflag:$0x1] =	stream.indirect.gather [hbm4b:s2+s8], $0x20, s13, s8, $0xb8;
	[tilespmem:$0x8400] =	vst v63  }
0x4e: {  	_ = 	snop  }
0x4f: {  	[tilespmem:s16], [sflag:$0x1] =	stream.indirect.gather [hbm4b:s2+s8], $0x20, s15, s8, $0xb8;
	[tilespmem:$0x8400] =	vst v63  }
0x50: {  	_ = 	snop  }
0x51: {  	[tilespmem:s18], [sflag:$0x1] =	stream.indirect.gather [hbm4b:s2+s8], $0x20, s17, s8, $0xb8;
	[tilespmem:$0x8400] =	vst v63  }
0x52: {  	_ = 	snop  }
0x53: {  	[tilespmem:s20], [sflag:$0x1] =	stream.indirect.gather [hbm4b:s2+s8], $0x20, s19, s8, $0xb8;
	[tilespmem:$0x8400] =	vst v63  }
0x54: {  	_ = 	snop  }
0x55: {  	[tilespmem:s22], [sflag:$0x1] =	stream.indirect.gather [hbm4b:s2+s8], $0x20, s21, s8, $0xb8;
	[tilespmem:$0x8400] =	vst v63  }
0x56: {  	_ =	swait.ge [sflag:s23], $0x1000  }
0x57: {  	[sflag:s23] =	ssyncset.done $0x0  }
0x58: {  	[sflag:s23] =	ssyncadd.s32 $0xFFFFF000  }
0x59: {  	_ =	swait.ge [sflag:s23], $0x1000  }
0x5a: {  	[sflag:s23] =	ssyncset.done $0x0  }
0x5b: {  	[sflag:s23] =	ssyncadd.s32 $0xFFFFF000  }
0x5c: {  	_ =	swait.ge [sflag:s23], $0x1000  }
0x5d: {  	[sflag:s23] =	ssyncset.done $0x0  }
0x5e: {  	[sflag:s23] =	ssyncadd.s32 $0xFFFFF000  }
0x5f: {  	_ =	swait.ge [sflag:s23], $0x1000  }
0x60: {  	[sflag:s23] =	ssyncset.done $0x0  }
0x61: {  	[sflag:s23] =	ssyncadd.s32 $0xFFFFF000  }
0x62: {  	_ =	swait.ge [sflag:s23], $0x1000  }
0x63: {  	[sflag:s23] =	ssyncset.done $0x0  }
0x64: {  	[sflag:s23] =	ssyncadd.s32 $0xFFFFF000  }
0x65: {  	_ =	swait.ge [sflag:s23], $0x1000  }
0x66: {  	[sflag:s23] =	ssyncset.done $0x0  }
0x67: {  	[sflag:s23] =	ssyncadd.s32 $0xFFFFF000  }
0x68: {  	_ =	swait.ge [sflag:s23], $0x1000  }
0x69: {  	[sflag:s23] =	ssyncset.done $0x0  }
0x6a: {  	[sflag:s23] =	ssyncadd.s32 $0xFFFFF000  }
0x6b: {  	_ =	swait.ge [sflag:s23], $0x1000  }
.Ltmp0:
0x6c: {  	[sflag:s23] =	ssyncset.done $0x0;
	(pc) =	sbr.rel @p0 .LBB2_2-.Ltmp0, $4  }
0x6d: {  	[sflag:s23] =	ssyncadd.s32 $0xFFFFF000  }
0x6e: {  	[hbm4b:s26+s24] =	stream.strided.scatter [tilespmem:s9], [sflag:$0x2], $0x8000, s8, s24, $0x38;
	[tilespmem:$0x8400] =	vst v63  }
0x6f: {  	_ =	swait.ge [sflag:s7], $0x8000  }
0x70: {  	s30 =	smov.u32 s29;
	s26 =	sadd.s32 $0x4000, s26;
	[sflag:s7] =	ssyncset.done $0x0  }
0x71: {  	s28 =	sadd.s32 s28, s6;
	[sflag:s7] =	ssyncadd.s32 $0xFFFF8000  }
0x72: {  	[tilespmem:s3], [sflag:$0x2] =	stream.linear.gather [hbm4b:s28+s3], $0x400, $0x38;
	[tilespmem:$0x8400] =	vst v63  }
0x73: {  	_ =	swait.ge [sflag:s7], $0x400  }
0x74: {  	[sflag:s7] =	ssyncset.done $0x0  }
0x75: {  	[sflag:s7] =	ssyncadd.s32 $0xFFFFFC00  }
0x76: {  	[tilespmem:s9], [sflag:$0x1] =	stream.indirect.gather [hbm4b:s2+s8], $0x20, s3, s8, $0xb8;
	[tilespmem:$0x8400] =	vst v63  }
0x77: {  	_ = 	snop  }
0x78: {  	[tilespmem:s10], [sflag:$0x1] =	stream.indirect.gather [hbm4b:s2+s8], $0x20, s8, s8, $0xb8;
	[tilespmem:$0x8400] =	vst v63  }
0x79: {  	_ = 	snop  }
0x7a: {  	[tilespmem:s12], [sflag:$0x1] =	stream.indirect.gather [hbm4b:s2+s8], $0x20, s11, s8, $0xb8;
	[tilespmem:$0x8400] =	vst v63  }
0x7b: {  	_ = 	snop  }
0x7c: {  	[tilespmem:s14], [sflag:$0x1] =	stream.indirect.gather [hbm4b:s2+s8], $0x20, s13, s8, $0xb8;
	[tilespmem:$0x8400] =	vst v63  }
0x7d: {  	_ = 	snop  }
0x7e: {  	[tilespmem:s16], [sflag:$0x1] =	stream.indirect.gather [hbm4b:s2+s8], $0x20, s15, s8, $0xb8;
	[tilespmem:$0x8400] =	vst v63  }
0x7f: {  	_ = 	snop  }
0x80: {  	[tilespmem:s18], [sflag:$0x1] =	stream.indirect.gather [hbm4b:s2+s8], $0x20, s17, s8, $0xb8;
	[tilespmem:$0x8400] =	vst v63  }
0x81: {  	_ = 	snop  }
0x82: {  	[tilespmem:s20], [sflag:$0x1] =	stream.indirect.gather [hbm4b:s2+s8], $0x20, s19, s8, $0xb8;
	[tilespmem:$0x8400] =	vst v63  }
0x83: {  	_ = 	snop  }
0x84: {  	[tilespmem:s22], [sflag:$0x1] =	stream.indirect.gather [hbm4b:s2+s8], $0x20, s21, s8, $0xb8;
	[tilespmem:$0x8400] =	vst v63  }
0x85: {  	_ =	swait.ge [sflag:s23], $0x1000  }
0x86: {  	[sflag:s23] =	ssyncset.done $0x0  }
0x87: {  	[sflag:s23] =	ssyncadd.s32 $0xFFFFF000  }
0x88: {  	_ =	swait.ge [sflag:s23], $0x1000  }
0x89: {  	[sflag:s23] =	ssyncset.done $0x0  }
0x8a: {  	[sflag:s23] =	ssyncadd.s32 $0xFFFFF000  }
0x8b: {  	_ =	swait.ge [sflag:s23], $0x1000  }
0x8c: {  	[sflag:s23] =	ssyncset.done $0x0  }
0x8d: {  	[sflag:s23] =	ssyncadd.s32 $0xFFFFF000  }
0x8e: {  	_ =	swait.ge [sflag:s23], $0x1000  }
0x8f: {  	[sflag:s23] =	ssyncset.done $0x0  }
0x90: {  	[sflag:s23] =	ssyncadd.s32 $0xFFFFF000  }
0x91: {  	_ =	swait.ge [sflag:s23], $0x1000  }
0x92: {  	[sflag:s23] =	ssyncset.done $0x0  }
0x93: {  	[sflag:s23] =	ssyncadd.s32 $0xFFFFF000  }
0x94: {  	_ =	swait.ge [sflag:s23], $0x1000  }
0x95: {  	[sflag:s23] =	ssyncset.done $0x0  }
0x96: {  	[sflag:s23] =	ssyncadd.s32 $0xFFFFF000  }
0x97: {  	_ =	swait.ge [sflag:s23], $0x1000  }
0x98: {  	[sflag:s23] =	ssyncset.done $0x0  }
0x99: {  	[sflag:s23] =	ssyncadd.s32 $0xFFFFF000  }
0x9a: {  	s25 =	sadd.s32 $0x1, s25;
	_ =	swait.ge [sflag:s23], $0x1000  }
0x9b: {  	p0 =	sne.s32 s25, s4;
	[sflag:s23] =	ssyncset.done $0x0  }
.Ltmp1:
0x9c: {  	[sflag:s23] =	ssyncadd.s32 $0xFFFFF000;
	(pc) =	sbr.rel @p0 .LBB2_1-.Ltmp1, $4  }
0x9d: {  	[hbm4b:s26+s24] =	stream.strided.scatter [tilespmem:s9], [sflag:$0x2], $0x8000, s8, s24, $0x38;
	[tilespmem:$0x8400] =	vst v63  }
0x9e: {  	_ =	swait.ge [sflag:s7], $0x8000  }
0x9f: {  	[sflag:s7] =	ssyncset.done $0x0  }
0xa0: {  	[sflag:s7] =	ssyncadd.s32 $0xFFFF8000  }
0xa1: {  	_ =	sfence.sel $0x180000  }
0xa2: {  	[bflag:$0x0] =	sbarrier.arrive $0xFFFF  }
0xa3: {  	p0 =	sne.s32 s0, $0x0;
	_ =	strace $0x90000047  }
0xa4: {  	s0 =	sadd.s32 @!p0 $0x100000, s1;
	[bflag:$0x2] =	sbarrier.arrive $0xFFFF  }
0xa5: {  	[sflag:s0] =	ssyncadd.tile.s32 @!p0 $0x1;
	_ =	shalt  }
.Lfunc_end2:
_tile_overlayer_lowered:
.L_overlay_start_2:
0xa6: {  	(tag) =	ssettag $0x2  }
0xa7: {  	s0 =	rddreg [dreg:$0x0];
	s2 =	stileid.u32  }
0xa8: {  	s1 =	rddreg [dreg:$0x1];
	p0 =	sne.s32 s2, $0x0  }
0xa9: {  	s3 =	rddreg [dreg:$0x2];
	[bflag:$0x3] =	sbarrier.arrive $0xFFFF;
	s2 =	simm.s32 @!p0 $0x1C02  }
0xaa: {  	[timem:s3], [sflag:s2] =	dma.local @!p0 [hbm:s0], s1  }
0xab: {  	s0 =	simm.s32 @!p0 $0x2  }
0xac: {  	_ =	swait.ge @!p0 [sflag:s0], s1  }
0xad: {  	s1 =	ssub.s32 @!p0 $0x0, s1;
	[sflag:s0] =	ssyncset.done @!p0 $0x0  }
0xae: {  	[sflag:s0] =	ssyncadd.s32 @!p0 s1  }
0xaf: {  	[bflag:$0x3] =	sbarrier.arrive $0xFFFF  }
0xb0: {  	_ =	shalt  }

</sc_bundles>
